<compile_context>
chip_gen: v7x
topology: tpu7x:2x2x1
jax: 0.10.2.dev20260603
libtpu: 0.0.44.dev20260713+nightly
codegen_flags: <defaults>
</compile_context>

<pallas_src>
import functools

import jax
import jax.numpy as jnp
from jax import lax
from jax.experimental import pallas as pl
from jax.experimental.pallas import tpu as pltpu
from jax.experimental.pallas import tpu_sc as plsc

_F32 = jnp.float32


def _dot(a, b):
    return lax.dot_general(a, b, (((a.ndim - 1,), (0,)), ((), ())),
                           preferred_element_type=_F32,
                           precision=lax.Precision.HIGHEST)


def _relu(x):
    return jnp.maximum(x, 0.0)


_NW = 32
_BPW = 8192 // _NW


def _gather_body(e0_hbm, e1_hbm, e2_hbm, i0_hbm, i1_hbm, i2_hbm,
                 q0_hbm, q1_hbm, q2_hbm,
                 i0_v, i1_v, i2a_v, i2b_v, r0_v, r1_v, r2_v, sem):
    wid = lax.axis_index("s") * 2 + lax.axis_index("c")
    base = wid * _BPW
    half = _BPW // 2
    pltpu.sync_copy(i0_hbm.at[pl.ds(base, _BPW)], i0_v)
    pltpu.async_copy(e0_hbm.at[i0_v], r0_v, sem).wait()
    pltpu.sync_copy(r0_v, q0_hbm.at[pl.ds(base, _BPW)])
    pltpu.sync_copy(i1_hbm.at[pl.ds(base, _BPW)], i1_v)
    pltpu.async_copy(e1_hbm.at[i1_v], r1_v, sem).wait()
    pltpu.sync_copy(r1_v, q1_hbm.at[pl.ds(base, _BPW)])
    pltpu.sync_copy(i2_hbm.at[pl.ds(base, half)], i2a_v)
    pltpu.async_copy(e2_hbm.at[i2a_v], r2_v, sem).wait()
    pltpu.sync_copy(r2_v, q2_hbm.at[pl.ds(base, half)])
    pltpu.sync_copy(i2_hbm.at[pl.ds(base + half, half)], i2b_v)
    pltpu.async_copy(e2_hbm.at[i2b_v], r2_v, sem).wait()
    pltpu.sync_copy(r2_v, q2_hbm.at[pl.ds(base + half, half)])


def _gather2_body(e_hbm, i_hbm, q_hbm, i_v, r_v, sem):
    wid = lax.axis_index("s") * 2 + lax.axis_index("c")
    base = wid * _BPW
    pltpu.sync_copy(i_hbm.at[pl.ds(base, _BPW)], i_v)
    pltpu.async_copy(e_hbm.at[i_v], r_v, sem).wait()
    pltpu.sync_copy(r_v, q_hbm.at[pl.ds(base, _BPW)])


def _run_gather2(E2p, i2):
    mesh = plsc.VectorSubcoreMesh(core_axis_name="c", subcore_axis_name="s")
    fn = pl.kernel(
        _gather2_body,
        mesh=mesh,
        out_type=jax.ShapeDtypeStruct((8192, 128), _F32),
        scratch_types=[pltpu.VMEM((_BPW,), jnp.int32),
                       pltpu.VMEM((_BPW, 128), _F32),
                       pltpu.SemaphoreType.DMA],
    )
    return fn(E2p, i2)


def _run_gather(E0, E1, E2, i0, i1, i2):
    mesh = plsc.VectorSubcoreMesh(core_axis_name="c", subcore_axis_name="s")
    fn = pl.kernel(
        _gather_body,
        mesh=mesh,
        out_type=[jax.ShapeDtypeStruct((8192, 256), _F32),
                  jax.ShapeDtypeStruct((8192, 128), _F32),
                  jax.ShapeDtypeStruct((8192, 128), _F32)],
        scratch_types=[pltpu.VMEM((_BPW,), jnp.int32),
                       pltpu.VMEM((_BPW,), jnp.int32),
                       pltpu.VMEM((_BPW // 2,), jnp.int32),
                       pltpu.VMEM((_BPW // 2,), jnp.int32),
                       pltpu.VMEM((_BPW, 256), _F32),
                       pltpu.VMEM((_BPW, 128), _F32),
                       pltpu.VMEM((_BPW // 2, 128), _F32),
                       pltpu.SemaphoreType.DMA],
    )
    E2p = jnp.pad(E2, ((0, 0), (0, 64)))
    q0, q1, q2p = fn(E0, E1, E2p, i0, i1, i2)
    return q0, q1, q2p[:, :64]


_MT4 = 512


def _dec_body(q0_ref, q1_ref, q2_ref,
              Wd0_ref, bd0_ref, Wd1_ref, bd1_ref, Wd2_ref, bd2_ref,
              recon_ref):
    comb = jnp.concatenate([q0_ref[...], q1_ref[...], q2_ref[...]], axis=1)
    d0 = _relu(_dot(comb, Wd0_ref[...]) + bd0_ref[...])
    d1 = _relu(_dot(d0, Wd1_ref[...]) + bd1_ref[...])
    recon_ref[...] = _dot(d1, Wd2_ref[...]) + bd2_ref[...]


def _run_dec(q0, q1, q2, Wd0, bd0, Wd1, bd1, Wd2, bd2):
    n_tok = q0.shape[0]
    grid = (n_tok // _MT4,)

    def full(a):
        return pl.BlockSpec(a.shape, lambda i: (0,) * a.ndim)

    def row(w):
        return pl.BlockSpec((_MT4, w), lambda i: (i, 0))

    return pl.pallas_call(
        _dec_body,
        grid=grid,
        in_specs=[row(256), row(128), row(64),
                  full(Wd0), full(bd0), full(Wd1), full(bd1),
                  full(Wd2), full(bd2)],
        out_specs=row(768),
        out_shape=jax.ShapeDtypeStruct((n_tok, 768), _F32),
    )(q0, q1, q2, Wd0, bd0, Wd1, bd1, Wd2, bd2)


def _twin_vq(p, E, commitment_cost=0.25):
    d = (jnp.sum(p * p, axis=1, keepdims=True) + jnp.sum(E * E, axis=1)
         - 2.0 * (p @ E.T))
    idx = jnp.argmin(d, axis=1)
    q = jnp.take(E, idx, axis=0)
    e_loss = jnp.mean((jax.lax.stop_gradient(q) - p) ** 2)
    q_loss = jnp.mean((q - jax.lax.stop_gradient(p)) ** 2)
    vq_loss = q_loss + commitment_cost * e_loss
    q_st = p + jax.lax.stop_gradient(q - p)
    return q_st, vq_loss, idx


def kernel(x, We0, be0, We1, be1, Wh0, bh0, Wh1, bh1, Wh2, bh2,
           Wp0a, bp0a, Wp0b, bp0b, Wp1a, bp1a, Wp1b, bp1b,
           Wp2a, bp2a, Wp2b, bp2b, E0, E1, E2,
           Wd0, bd0, Wd1, bd1, Wd2, bd2):
    h = jax.nn.relu(x @ We0 + be0)
    h = jax.nn.relu(h @ We1 + be1)
    feats = [h @ Wh0 + bh0, h @ Wh1 + bh1, h @ Wh2 + bh2]
    projs = [(Wp0a, bp0a, Wp0b, bp0b), (Wp1a, bp1a, Wp1b, bp1b),
             (Wp2a, bp2a, Wp2b, bp2b)]
    Es = [E0, E1, E2]
    total_loss = 0.0
    quantized = []
    indices = []
    ps = []
    for f, (Wa, ba, Wb, bb), E in zip(feats, projs, Es):
        p = jax.nn.relu(f @ Wa + ba) @ Wb + bb
        q_st, vq_loss, idx = _twin_vq(p, E)
        quantized.append(q_st)
        indices.append(idx)
        ps.append(p)
        if E is not E2:
            total_loss = total_loss + vq_loss

    p2 = ps[2]
    q_st2, vq_loss2, _ = _twin_vq(p2, E2)
    total_loss = total_loss + vq_loss2

    comb_parts = lax.optimization_barrier(tuple(quantized)
                                          + (Wd0, bd0, Wd1, bd1, Wd2, bd2))
    r = lambda b: b.reshape(1, -1)
    recon = _run_dec(comb_parts[0], comb_parts[1], comb_parts[2],
                     comb_parts[3], r(comb_parts[4]), comb_parts[5],
                     r(comb_parts[6]), comb_parts[7], r(comb_parts[8]))
    return recon, total_loss, indices[0], indices[1], indices[2]

# --- scband reference (transcript-rebuilt; emitter-appended) ---
"""Pipeline reference for scband-hqvae-13262859010640 (READ-ONLY COPY).

The authoritative reference and input builder live on the scoring server;
editing this copy changes nothing except your own understanding.
"""

import jax, jax.numpy as jnp
import numpy as np

def setup_inputs(seed: int = 0):
    key = jax.random.key(seed)
    ks = jax.random.split(key, 40)
    def lin(k, i, o):
        return jax.random.normal(k, (i, o), dtype=jnp.float32) * 0.02
    inp = {}
    inp["x"] = jax.random.normal(ks[0], (8192, 768), dtype=jnp.float32)
    inp["We0"] = lin(ks[1], 768, 1024); inp["be0"] = jnp.zeros((1024,), jnp.float32)
    inp["We1"] = lin(ks[2], 1024, 512); inp["be1"] = jnp.zeros((512,), jnp.float32)
    inp["Wh0"] = lin(ks[3], 512, 256); inp["bh0"] = jnp.zeros((256,), jnp.float32)
    inp["Wh1"] = lin(ks[4], 512, 128); inp["bh1"] = jnp.zeros((128,), jnp.float32)
    inp["Wh2"] = lin(ks[5], 512, 64); inp["bh2"] = jnp.zeros((64,), jnp.float32)
    inp["Wp0a"] = lin(ks[6], 256, 128); inp["bp0a"] = jnp.zeros((128,), jnp.float32)
    inp["Wp0b"] = lin(ks[7], 128, 256); inp["bp0b"] = jnp.zeros((256,), jnp.float32)
    inp["Wp1a"] = lin(ks[8], 128, 64); inp["bp1a"] = jnp.zeros((64,), jnp.float32)
    inp["Wp1b"] = lin(ks[9], 64, 128); inp["bp1b"] = jnp.zeros((128,), jnp.float32)
    inp["Wp2a"] = lin(ks[10], 64, 32); inp["bp2a"] = jnp.zeros((32,), jnp.float32)
    inp["Wp2b"] = lin(ks[11], 32, 64); inp["bp2b"] = jnp.zeros((64,), jnp.float32)
    inp["E0"] = jax.random.uniform(ks[12], (8192, 256), dtype=jnp.float32, minval=-1.0/8192, maxval=1.0/8192)
    inp["E1"] = jax.random.uniform(ks[13], (1024, 128), dtype=jnp.float32, minval=-1.0/1024, maxval=1.0/1024)
    inp["E2"] = jax.random.uniform(ks[14], (512, 64), dtype=jnp.float32, minval=-1.0/512, maxval=1.0/512)
    inp["Wd0"] = lin(ks[15], 448, 512); inp["bd0"] = jnp.zeros((512,), jnp.float32)
    inp["Wd1"] = lin(ks[16], 512, 1024); inp["bd1"] = jnp.zeros((1024,), jnp.float32)
    inp["Wd2"] = lin(ks[17], 1024, 768); inp["bd2"] = jnp.zeros((768,), jnp.float32)
    return inp

def _vq(p, E, commitment_cost=0.25):
    d = jnp.sum(p * p, axis=1, keepdims=True) + jnp.sum(E * E, axis=1) - 2.0 * (p @ E.T)
    idx = jnp.argmin(d, axis=1)
    q = jnp.take(E, idx, axis=0)
    e_loss = jnp.mean((jax.lax.stop_gradient(q) - p) ** 2)
    q_loss = jnp.mean((q - jax.lax.stop_gradient(p)) ** 2)
    vq_loss = q_loss + commitment_cost * e_loss
    q_st = p + jax.lax.stop_gradient(q - p)
    return q_st, vq_loss, idx

def reference(x, We0, be0, We1, be1, Wh0, bh0, Wh1, bh1, Wh2, bh2, Wp0a, bp0a, Wp0b, bp0b, Wp1a, bp1a, Wp1b, bp1b, Wp2a, bp2a, Wp2b, bp2b, E0, E1, E2, Wd0, bd0, Wd1, bd1, Wd2, bd2):
    h = jax.nn.relu(x @ We0 + be0)
    h = jax.nn.relu(h @ We1 + be1)
    feats = [h @ Wh0 + bh0, h @ Wh1 + bh1, h @ Wh2 + bh2]
    projs = [(Wp0a, bp0a, Wp0b, bp0b), (Wp1a, bp1a, Wp1b, bp1b), (Wp2a, bp2a, Wp2b, bp2b)]
    Es = [E0, E1, E2]
    total_loss = 0.0
    quantized = []
    indices = []
    for f, (Wa, ba, Wb, bb), E in zip(feats, projs, Es):
        p = jax.nn.relu(f @ Wa + ba) @ Wb + bb
        q_st, vq_loss, idx = _vq(p, E)
        quantized.append(q_st)
        indices.append(idx)
        total_loss = total_loss + vq_loss
    comb = jnp.concatenate(quantized, axis=-1)
    d = jax.nn.relu(comb @ Wd0 + bd0)
    d = jax.nn.relu(d @ Wd1 + bd1)
    recon = d @ Wd2 + bd2
    return recon, total_loss, indices[0], indices[1], indices[2]

if __name__ == "__main__":
    import jax
    _d = setup_inputs()
    print(jax.jit(kernel)(*tuple(_d.values())))

</pallas_src>

<mosaic_0001>
module attributes {stable_mosaic.version = 14 : i64} {
  func.func @_dec_body(%arg0: i32, %arg1: memref<512x256xf32, #tpu.memory_space<vmem>>, %arg2: memref<512x128xf32, #tpu.memory_space<vmem>>, %arg3: memref<512x64xf32, #tpu.memory_space<vmem>>, %arg4: memref<448x512xf32, #tpu.memory_space<vmem>>, %arg5: memref<1x512xf32, #tpu.memory_space<vmem>>, %arg6: memref<512x1024xf32, #tpu.memory_space<vmem>>, %arg7: memref<1x1024xf32, #tpu.memory_space<vmem>>, %arg8: memref<1024x768xf32, #tpu.memory_space<vmem>>, %arg9: memref<1x768xf32, #tpu.memory_space<vmem>>, %arg10: memref<512x768xf32, #tpu.memory_space<vmem>>) attributes {dimension_semantics = [#tpu.dimension_semantics<arbitrary>], iteration_bounds = array<i64: 16>, scalar_prefetch = 0 : i64, scratch_operands = 0 : i64, tpu.core_type = #tpu.core_type<tc>, window_params = [{transform_indices = @transform_0, window_bounds = array<i64: 512, 256>}, {transform_indices = @transform_1, window_bounds = array<i64: 512, 128>}, {transform_indices = @transform_2, window_bounds = array<i64: 512, 64>}, {pipeline_mode = #tpu.pipeline_mode<synchronous>, transform_indices = @transform_3, window_bounds = array<i64: 448, 512>}, {pipeline_mode = #tpu.pipeline_mode<synchronous>, transform_indices = @transform_4, window_bounds = array<i64: 1, 512>}, {pipeline_mode = #tpu.pipeline_mode<synchronous>, transform_indices = @transform_5, window_bounds = array<i64: 512, 1024>}, {pipeline_mode = #tpu.pipeline_mode<synchronous>, transform_indices = @transform_6, window_bounds = array<i64: 1, 1024>}, {pipeline_mode = #tpu.pipeline_mode<synchronous>, transform_indices = @transform_7, window_bounds = array<i64: 1024, 768>}, {pipeline_mode = #tpu.pipeline_mode<synchronous>, transform_indices = @transform_8, window_bounds = array<i64: 1, 768>}, {transform_indices = @transform_9, window_bounds = array<i64: 512, 768>}]} {
    %get3A = arith.constant 0 : index
    %get3A_0 = arith.constant 0 : index
    %get3A_1 = vector.load %arg1[%get3A, %get3A_0] : memref<512x256xf32, #tpu.memory_space<vmem>>, vector<512x256xf32>
    %get3A_2 = arith.constant 0 : index
    %get3A_3 = arith.constant 0 : index
    %get3A_4 = vector.load %arg2[%get3A_2, %get3A_3] : memref<512x128xf32, #tpu.memory_space<vmem>>, vector<512x128xf32>
    %get3A_5 = arith.constant 0 : index
    %get3A_6 = arith.constant 0 : index
    %get3A_7 = vector.load %arg3[%get3A_5, %get3A_6] : memref<512x64xf32, #tpu.memory_space<vmem>>, vector<512x64xf32>
    %concatenate3A = tpu.concatenate %get3A_1, %get3A_4, %get3A_7 in 1 : vector<512x256xf32>, vector<512x128xf32>, vector<512x64xf32> -> vector<512x448xf32>
    %get3A_8 = arith.constant 0 : index
    %get3A_9 = arith.constant 0 : index
    %get3A_10 = vector.load %arg4[%get3A_8, %get3A_9] : memref<448x512xf32, #tpu.memory_space<vmem>>, vector<448x512xf32>
    %dot_general3A = arith.constant dense<0.000000e+00> : vector<512x512xf32>
    %dot_general3A_11 = tpu.matmul %concatenate3A, %get3A_10, %dot_general3A {dimension_numbers = #tpu.dot_dimension_numbers<[1], [0], [0], [1], [0, 0, 1, 1], [], []>, precision = #tpu.contract_precision<fp32>, transpose_lhs_hint = false} : vector<512x448xf32>, vector<448x512xf32>, vector<512x512xf32> -> vector<512x512xf32>
    %get3A_12 = arith.constant 0 : index
    %get3A_13 = arith.constant 0 : index
    %get3A_14 = vector.load %arg5[%get3A_12, %get3A_13] : memref<1x512xf32, #tpu.memory_space<vmem>>, vector<1x512xf32>
    %add3A = vector.broadcast %get3A_14 : vector<1x512xf32> to vector<512x512xf32>
    %add3A_15 = arith.addf %dot_general3A_11, %add3A : vector<512x512xf32>
    %max3A = arith.constant 0.000000e+00 : f32
    %max3A_16 = vector.broadcast %max3A : f32 to vector<512x512xf32>
    %max3A_17 = arith.maximumf %add3A_15, %max3A_16 : vector<512x512xf32>
    %get3A_18 = arith.constant 0 : index
    %get3A_19 = arith.constant 0 : index
    %get3A_20 = vector.load %arg6[%get3A_18, %get3A_19] : memref<512x1024xf32, #tpu.memory_space<vmem>>, vector<512x1024xf32>
    %dot_general3A_21 = arith.constant dense<0.000000e+00> : vector<512x1024xf32>
    %dot_general3A_22 = tpu.matmul %max3A_17, %get3A_20, %dot_general3A_21 {dimension_numbers = #tpu.dot_dimension_numbers<[1], [0], [0], [1], [0, 0, 1, 1], [], []>, precision = #tpu.contract_precision<fp32>, transpose_lhs_hint = false} : vector<512x512xf32>, vector<512x1024xf32>, vector<512x1024xf32> -> vector<512x1024xf32>
    %get3A_23 = arith.constant 0 : index
    %get3A_24 = arith.constant 0 : index
    %get3A_25 = vector.load %arg7[%get3A_23, %get3A_24] : memref<1x1024xf32, #tpu.memory_space<vmem>>, vector<1x1024xf32>
    %add3A_26 = vector.broadcast %get3A_25 : vector<1x1024xf32> to vector<512x1024xf32>
    %add3A_27 = arith.addf %dot_general3A_22, %add3A_26 : vector<512x1024xf32>
    %max3A_28 = arith.constant 0.000000e+00 : f32
    %max3A_29 = vector.broadcast %max3A_28 : f32 to vector<512x1024xf32>
    %max3A_30 = arith.maximumf %add3A_27, %max3A_29 : vector<512x1024xf32>
    %get3A_31 = arith.constant 0 : index
    %get3A_32 = arith.constant 0 : index
    %get3A_33 = vector.load %arg8[%get3A_31, %get3A_32] : memref<1024x768xf32, #tpu.memory_space<vmem>>, vector<1024x768xf32>
    %dot_general3A_34 = arith.constant dense<0.000000e+00> : vector<512x768xf32>
    %dot_general3A_35 = tpu.matmul %max3A_30, %get3A_33, %dot_general3A_34 {dimension_numbers = #tpu.dot_dimension_numbers<[1], [0], [0], [1], [0, 0, 1, 1], [], []>, precision = #tpu.contract_precision<fp32>, transpose_lhs_hint = false} : vector<512x1024xf32>, vector<1024x768xf32>, vector<512x768xf32> -> vector<512x768xf32>
    %get3A_36 = arith.constant 0 : index
    %get3A_37 = arith.constant 0 : index
    %get3A_38 = vector.load %arg9[%get3A_36, %get3A_37] : memref<1x768xf32, #tpu.memory_space<vmem>>, vector<1x768xf32>
    %add3A_39 = vector.broadcast %get3A_38 : vector<1x768xf32> to vector<512x768xf32>
    %add3A_40 = arith.addf %dot_general3A_35, %add3A_39 : vector<512x768xf32>
    %swap3A = arith.constant 0 : index
    %swap3A_41 = arith.constant 0 : index
    %swap3A_42 = vector.load %arg10[%swap3A, %swap3A_41] : memref<512x768xf32, #tpu.memory_space<vmem>>, vector<512x768xf32>
    tpu.vector_store %arg10[%swap3A, %swap3A_41], %add3A_40 {strides = array<i32>} : memref<512x768xf32, #tpu.memory_space<vmem>>, vector<512x768xf32>,
    return
  }
  func.func @transform_0(%arg0: i32) -> (i32, i32) {
    %c0_i32 = arith.constant 0 : i32
    %c0_i32_0 = arith.constant 0 : i32
    return %arg0, %c0_i32 : i32, i32
  }
  func.func @transform_1(%arg0: i32) -> (i32, i32) {
    %c0_i32 = arith.constant 0 : i32
    %c0_i32_0 = arith.constant 0 : i32
    return %arg0, %c0_i32 : i32, i32
  }
  func.func @transform_2(%arg0: i32) -> (i32, i32) {
    %c0_i32 = arith.constant 0 : i32
    %c0_i32_0 = arith.constant 0 : i32
    return %arg0, %c0_i32 : i32, i32
  }
  func.func @transform_3(%arg0: i32) -> (i32, i32) {
    %c0_i32 = arith.constant 0 : i32
    %c0_i32_0 = arith.constant 0 : i32
    %c0_i32_1 = arith.constant 0 : i32
    return %c0_i32, %c0_i32_0 : i32, i32
  }
  func.func @transform_4(%arg0: i32) -> (i32, i32) {
    %c0_i32 = arith.constant 0 : i32
    %c0_i32_0 = arith.constant 0 : i32
    %c0_i32_1 = arith.constant 0 : i32
    return %c0_i32, %c0_i32_0 : i32, i32
  }
  func.func @transform_5(%arg0: i32) -> (i32, i32) {
    %c0_i32 = arith.constant 0 : i32
    %c0_i32_0 = arith.constant 0 : i32
    %c0_i32_1 = arith.constant 0 : i32
    return %c0_i32, %c0_i32_0 : i32, i32
  }
  func.func @transform_6(%arg0: i32) -> (i32, i32) {
    %c0_i32 = arith.constant 0 : i32
    %c0_i32_0 = arith.constant 0 : i32
    %c0_i32_1 = arith.constant 0 : i32
    return %c0_i32, %c0_i32_0 : i32, i32
  }
  func.func @transform_7(%arg0: i32) -> (i32, i32) {
    %c0_i32 = arith.constant 0 : i32
    %c0_i32_0 = arith.constant 0 : i32
    %c0_i32_1 = arith.constant 0 : i32
    return %c0_i32, %c0_i32_0 : i32, i32
  }
  func.func @transform_8(%arg0: i32) -> (i32, i32) {
    %c0_i32 = arith.constant 0 : i32
    %c0_i32_0 = arith.constant 0 : i32
    %c0_i32_1 = arith.constant 0 : i32
    return %c0_i32, %c0_i32_0 : i32, i32
  }
  func.func @transform_9(%arg0: i32) -> (i32, i32) {
    %c0_i32 = arith.constant 0 : i32
    %c0_i32_0 = arith.constant 0 : i32
    return %arg0, %c0_i32 : i32, i32
  }
}

</mosaic_0001>

<sc_bundles>
// kernel: gather_offload_async_start
scs
__scs_entry_jumppad:
0x0: {  	(pc) =	sbr.rel $0x88, $3  }
0x1: {  	(tag) =	ssettag $0x0;
	lr =	simm.s32 $0x1  }
0x2: {  	[smem:$0x3F81] =	sst lr;
	_ =	strace $0xD0000000  }
0x3: {  	_ = 	snop  }
0x4: {  	_ = 	snop  }
0x5: {  	_ = 	snop  }
0x6: {  	_ = 	snop  }
0x7: {  	_ = 	snop  }
__scs_overlays_trampoline_lowered:
0x8: {  	[smem:$0x3F90] =	sst s0  }
0x9: {  	[smem:$0x3F91] =	sst s1  }
0xa: {  	[smem:$0x3F92] =	sst s2  }
0xb: {  	[smem:$0x3F93] =	sst s3  }
0xc: {  	[smem:$0x3F94] =	sst s4  }
0xd: {  	[smem:$0x3F95] =	sst s5  }
0xe: {  	[smem:$0x3F96] =	sst s6  }
0xf: {  	[smem:$0x3F97] =	sst s7  }
0x10: {  	[smem:$0x3F98] =	sst s8  }
0x11: {  	[smem:$0x3F99] =	sst s9;
	s0 =	simm.s32 @!p0 $0x0  }
0x12: {  	s1 =	sld [smem:$0x3F7F];
	s0 =	simm.s32 @p0 $0x1  }
0x13: {  	[smem:$0x3F9A] =	sst s0;
	s0 =	simm.s32 @!p1 $0x0  }
0x14: {  	s2 =	sld [smem:$0x3F7E];
	s0 =	simm.s32 @p1 $0x1  }
0x15: {  	[smem:$0x3F9B] =	sst s0;
	s0 =	simm.s32 @!p2 $0x0  }
0x16: {  	s3 =	sld [smem:$0x3FDB];
	s0 =	simm.s32 @p2 $0x1  }
0x17: {  	s4 =	simm.s32 $0x1BF5;
	[smem:$0x3F9D] =	sst s0  }
0x18: {  	s0 =	sld [smem:$0x3F80];
	_ =	swait.ge [sflag:s4], $0x0  }
0x19: {  	s7 =	sld [smem:$0x3F81]  }
0x1a: {  	s8 =	sadd.s32 $0xFFFFE003, lr  }
0x1b: {  	s9 =	sadd.s32 $0xFFFFFEF7, lr;
	s5 =	simm.s32 $0xFFFFFFFF;
	p2 =	slt.u32 s8, $0xFFFFF086  }
0x1c: {  	p1 =	slt.u32 s9, $0xF7A;
	s5 =	simm.s32 @!p2 $0x0  }
0x1d: {  	s5 =	simm.s32 @p1 $0x1;
	p0 =	seq.s32 s7, s2  }
0x1e: {  	s7 =	smul.u32 @!p0 $0xF7A, s2;
	p2 =	seq.s32 @!p0 s5, $0x0  }
0x1f: {  	s9 =	smul.u32 $0xF7A, s1;
	s8 =	simm.s32 @!p0 $0x1BF5;
	p2 =	por !p2, p0  }
0x20: {  	[sflag:s8] =	ssyncset.s32 @!p0 $0xFFFFF086;
	s6 =	sadd.s32 @!p0 s3, s7;
	s7 =	simm.s32 @!p0 $0x108  }
0x21: {  	s3 =	sadd.s32 s3, s9;
	s6 =	sadd.s32 @!p0 $0x88, s6;
	s7 =	simm.s32 @p2 $0x1082  }
0x22: {  	[simem:s7], [sflag:s8] =	dma.local @!p0 [hbm:s6], $0xF7A  }
0x23: {  	s9 =	sor.u32 $0xD0000000, s2;
	s6 =	simm.s32 $0x108;
	_ =	swait.ge @!p0 [sflag:s8], $0x0  }
0x24: {  	s3 =	sadd.s32 $0x88, s3;
	s6 =	simm.s32 @!p1 $0x1082;
	[sflag:s4] =	ssyncset.s32 $0xFFFFF086  }
0x25: {  	[simem:s6], [sflag:s4] =	dma.local [hbm:s3], $0xF7A  }
0x26: {  	[smem:$0x3F81] =	sst s1;
	(tag) =	ssettag s2;
	_ =	strace s9  }
0x27: {  	s1 =	sld [smem:$0x3F91]  }
0x28: {  	s2 =	sld [smem:$0x3F92]  }
0x29: {  	s4 =	sld [smem:$0x3F94]  }
0x2a: {  	p0 =	seq.s32 s5, $0x0;
	s5 =	sld [smem:$0x3F95]  }
0x2b: {  	s6 =	sld [smem:$0x3F96]  }
0x2c: {  	s7 =	sld [smem:$0x3F97]  }
0x2d: {  	s3 =	simm.s32 $0x108;
	s8 =	sld [smem:$0x3F98]  }
0x2e: {  	s3 =	simm.s32 @!p0 $0x1082;
	s9 =	sld [smem:$0x3F99]  }
0x2f: {  	lr =	sadd.s32 s0, s3;
	s0 =	sld [smem:$0x3F90]  }
0x30: {  	s3 =	sld [smem:$0x3F93]  }
0x31: {  	[smem:$0x3F9C] =	sst s10  }
0x32: {  	s10 =	sld [smem:$0x3F9A];
	_ =	sdelay $0x3  }
0x33: {  	p0 =	seq.s32 s10, $0x1;
	s10 =	sld [smem:$0x3F9C];
	_ =	sdelay $0x3  }
0x34: {  	[smem:$0x3F9C] =	sst s10  }
0x35: {  	s10 =	sld [smem:$0x3F9B];
	_ =	sdelay $0x3  }
0x36: {  	p1 =	seq.s32 s10, $0x1;
	s10 =	sld [smem:$0x3F9C];
	_ =	sdelay $0x3  }
0x37: {  	[smem:$0x3F9C] =	sst s10  }
0x38: {  	s10 =	sld [smem:$0x3F9D]  }
0x39: {  	_ = 	snop;
	(pc) =	sbr.ind lr, $3  }
0x3a: {  	_ = 	snop  }
0x3b: {  	_ = 	snop  }
0x3c: {  	p2 =	seq.s32 s10, $0x1;
	s10 =	sld [smem:$0x3F9C]  }
0x3d: {  	_ =	shalt  }
0x3e: {  	_ =	shalt  }
0x3f: {  	_ =	shalt  }
0x40: {  	_ =	shalt  }
0x41: {  	_ =	shalt  }
0x42: {  	_ =	shalt  }
0x43: {  	_ =	shalt  }
0x44: {  	_ =	shalt  }
0x45: {  	_ =	shalt  }
0x46: {  	_ =	shalt  }
0x47: {  	_ =	shalt  }
0x48: {  	_ =	shalt  }
0x49: {  	_ =	shalt  }
0x4a: {  	_ =	shalt  }
0x4b: {  	_ =	shalt  }
0x4c: {  	_ =	shalt  }
0x4d: {  	_ =	shalt  }
0x4e: {  	_ =	shalt  }
0x4f: {  	_ =	shalt  }
0x50: {  	_ =	shalt  }
0x51: {  	_ =	shalt  }
0x52: {  	_ =	shalt  }
0x53: {  	_ =	shalt  }
0x54: {  	_ =	shalt  }
0x55: {  	_ =	shalt  }
0x56: {  	_ =	shalt  }
0x57: {  	_ =	shalt  }
0x58: {  	_ =	shalt  }
0x59: {  	_ =	shalt  }
0x5a: {  	_ =	shalt  }
0x5b: {  	_ =	shalt  }
0x5c: {  	_ =	shalt  }
0x5d: {  	_ =	shalt  }
0x5e: {  	_ =	shalt  }
0x5f: {  	_ =	shalt  }
0x60: {  	_ =	shalt  }
0x61: {  	_ =	shalt  }
0x62: {  	_ =	shalt  }
0x63: {  	_ =	shalt  }
0x64: {  	_ =	shalt  }
0x65: {  	_ =	shalt  }
0x66: {  	_ =	shalt  }
0x67: {  	_ =	shalt  }
0x68: {  	_ =	shalt  }
0x69: {  	_ =	shalt  }
0x6a: {  	_ =	shalt  }
0x6b: {  	_ =	shalt  }
0x6c: {  	_ =	shalt  }
0x6d: {  	_ =	shalt  }
0x6e: {  	_ =	shalt  }
0x6f: {  	_ =	shalt  }
0x70: {  	_ =	shalt  }
0x71: {  	_ =	shalt  }
0x72: {  	_ =	shalt  }
0x73: {  	_ =	shalt  }
0x74: {  	_ =	shalt  }
0x75: {  	_ =	shalt  }
0x76: {  	_ =	shalt  }
0x77: {  	_ =	shalt  }
0x78: {  	_ =	shalt  }
0x79: {  	_ =	shalt  }
0x7a: {  	_ =	shalt  }
0x7b: {  	_ =	shalt  }
0x7c: {  	_ =	shalt  }
0x7d: {  	_ =	shalt  }
0x7e: {  	_ =	shalt  }
0x7f: {  	_ =	shalt  }
0x80: {  	_ =	shalt  }
0x81: {  	_ =	shalt  }
0x82: {  	_ =	shalt  }
0x83: {  	_ =	shalt  }
0x84: {  	_ =	shalt  }
0x85: {  	_ =	shalt  }
0x86: {  	_ =	shalt  }
0x87: {  	_ =	shalt  }
.Lfunc_end0:
.L_simem_size_0:
called_computation_lowered:
.L_overlay_start_0:
0x88: {  	s2 =	sld [smem:$0x3FD9]  }
0x89: {  	s3 =	sld [smem:$0x3FFE];
	_ =	sdelay $0x1  }
0x8a: {  	s1 =	srdreg.scid  }
0x8b: {  	s0 =	sand.u32 $0x1, s1  }
0x8c: {  	s17 =	sshll.u32 s0, $0xA;
	s2 =	sadd.s32 s3, s2  }
0x8d: {  	s2 =	sadd.s32 s2, s17  }
0x8e: {  	[smem:$0x3FA8] =	sst s2  }
0x8f: {  	_ = 	snop  }
0x90: {  	s2 =	sld [smem:$0x3FB2];
	(tm) =	ssettm $0x1  }
0x91: {  	s18 =	sld [smem:$0x3FFB];
	_ =	sdelay $0x3  }
0x92: {  	_ =	strace s18  }
0x93: {  	s3 =	sld [smem:$0x3FFC];
	_ =	sdelay $0x3  }
0x94: {  	_ =	strace s3  }
0x95: {  	s3 =	sld [smem:$0x3FFD];
	_ =	sdelay $0x3  }
0x96: {  	_ =	strace s3  }
0x97: {  	_ =	strace $0x8FFFFFFF  }
0x98: {  	s19 =	sld [smem:$0x3FDB];
	_ =	sdelay $0x1  }
0x99: {  	s4 =	simm.s32 $_scs_section_size  }
0x9a: {  	s5 =	simm.s32 $_size__tile_overlayer_lowered;
	s6 =	simm.s32 $_tile_overlayer_lowered  }
0x9b: {  	s22 =	simm.s32 $0x1BFF;
	s21 =	sshll.u32 s6, $0x1;
	s3 =	sadd.s32 s4, s19  }
0x9c: {  	s7 =	simm.s32 $0x0;
	s20 =	sshll.u32 s5, $0x1;
	s5 =	sadd.s32 s21, s3  }
0x9d: {  	[timem:s7], [sflag:s22] =	dma.local [hbm:s5], s20  }
0x9e: {  	_ =	swait.ge [sflag:s22], s20  }
0x9f: {  	s4 =	ssub.s32 $0x0, s20;
	[sflag:s22] =	ssyncset.done $0x0  }
0xa0: {  	[sflag:s22] =	ssyncadd.s32 s4;
	_ =	sdelay $0x1  }
0xa1: {  	s23 =	simm.s32 $0x1B8B  }
0xa2: {  	_ =	swait.ge [sflag:s23], $0x1  }
0xa3: {  	[sflag:s23] =	ssyncset.done $0x0  }
0xa4: {  	s25 =	simm.s32 $0x1B8E;
	s24 =	sld [smem:$0x3FFE];
	[sflag:s23] =	ssyncadd.s32 $0xFFFFFFFF  }
0xa5: {  	s26 =	simm.s32 $execute0_lowered;
	[smem:$0x3FD2] =	sst s25  }
0xa6: {  	s5 =	sshll.u32 s26, $0x1;
	_ =	strace $0x80000046;
	[dreg:$0x1] =	wrdreg $0xFFFFFFFF  }
0xa7: {  	s28 =	simm.s32 $_size_execute0_lowered;
	s3 =	sadd.s32 s3, s5;
	[dreg:$0x0] =	wrdreg $0x0  }
0xa8: {  	s5 =	sshll.u32 s28, $0x1;
	[dreg:$0x2] =	wrdreg s3  }
0xa9: {  	[dreg:$0x3] =	wrdreg s5  }
0xaa: {  	[dreg:$0x4] =	wrdreg $0xC0  }
0xab: {  	_ =	task [dreg:s7], $0x5FFFF  }
0xac: {  	[dreg:$0x1] =	wrdreg $0xFFFFFFFF  }
0xad: {  	[dreg:$0x0] =	wrdreg $0x60  }
0xae: {  	[dreg:$0x2] =	wrdreg s2  }
0xaf: {  	[dreg:$0x3] =	wrdreg s24  }
0xb0: {  	[dreg:$0x4] =	wrdreg $0x9  }
0xb1: {  	_ =	task.clear_ibuf [dreg:s7], $0x5FFFF;
	_ =	strace $0x90000046  }
0xb2: {  	s29 =	simm.s32 $0x9;
	_ =	strace $0x80000048  }
0xb3: {  	_ =	swait.ge [sflag:s29], $0x1  }
0xb4: {  	[sflag:s29] =	ssyncadd.s32 $0xFFFFFFFF  }
0xb5: {  	_ =	strace $0x90000048  }
0xb6: {  	_ =	sfence  }
0xb7: {  	s30 =	sld [smem:$0x0];
	_ =	sdelay $0x2  }
0xb8: {  	s31 =	sshll.u32 s1, $0xD;
	s1 =	sshrl.u32 s1, $0x2  }
0xb9: {  	s3 =	sand.u32 $0x4000, s31;
	s1 =	sadd.s32 s1, s30  }
0xba: {  	s0 =	sor.u32 s3, s0;
	s1 =	sshll.u32 s1, $0x11  }
0xbb: {  	s0 =	sor.u32 s1, s0  }
0xbc: {  	s0 =	sadd.s32 $0x8F2B, s0  }
0xbd: {  	[sflag:s0] =	ssyncadd.remote.s32 $0x1  }
0xbe: {  	_ =	sfence.sel $0xFFFF  }
0xbf: {  	[dreg:$0x0] =	wrdreg $0xFFFFFFFF;
	(pc) =	sbr.abs _section_cstart, $3  }
0xc0: {  	[dreg:$0x1] =	wrdreg $0xFFFFFFFF  }
0xc1: {  	_ =	task.clear_ibuf [dreg:s7], $0x2FFFF;
	_ =	strace $0x9FFFFFFF  }
0xc2: {  	(tm) =	ssettm $0x7FFFFFFF  }
0xc3: {  	_ =	shalt  }
tec
execute0_lowered:
.L_overlay_start_1:
0x0: {  	(tag) =	ssettag $0x1  }
0x1: {  	s2 =	rddreg [dreg:$0x0]  }
0x2: {  	s3 =	rddreg [dreg:$0x1]  }
0x3: {  	s0 =	rddreg [dreg:$0x2];
	s1 =	srdreg.scid;
	_ =	strace $0x80000047  }
0x4: {  	s4 =	simm.s32 $0x1;
	s9 =	simm.s32 $0x3;
	s5 =	sshll.u32 s1, $0x4  }
.Ltmp0:
0x5: {  	s1 =	stileid.u32;
	s5 =	sand.u32 $0x10, s5;
	(pc) =	sbr.rel .LBB2_1-.Ltmp0, $4  }
0x6: {  	s11 =	simm.s32 $0x0;
	p0 =	por $0x0, $0x0;
	s6 =	sor.u32 s1, s5  }
0x7: {  	[sflag:s4] =	ssyncpa.u1 $0x0;
	s5 =	simm.s32 $0x2;
	s6 =	sshll.u32 s6, $0x8  }
0x8: {  	s7 =	sadd.s32 $0x62400, s3;
	[sflag:s5] =	ssyncpa.u1 $0x0;
	s8 =	sadd.s32 $0x100, s6  }
0x9: {  	vm0 =	vmmov $0xff;
	vm1 =	vcmask $0x3F20;
	[sflag:s9] =	ssyncpa.u1 $0x0;
	s10 =	smov.u32 s6;
	s9 =	simm.s32 $0x0  }
.LBB2_8:
0xa: {  	[hbm:s15] =	stream.linear.scatter [tilespmem:s12], [sflag:$0x3], $0x800, $0x38;
	[tilespmem:$0x10100] =	vst v63  }
.LBB2_9:
0xb: {  	p1 =	slt.u32 s9, $0x2;
	s11 =	sadd.s32 $0x80, s10  }
0xc: {  	s13 =	smov.u32 s6;
	s9 =	sadd.s32 $0x1, s9;
	p2 =	slt.s32 s11, s8  }
0xd: {  	s13 =	smov.u32 @p2 s11;
	p2 =	sne.s32 s9, $0x4  }
.Ltmp1:
0xe: {  	_ = 	snop;
	(pc) =	sbr.rel @!p2 .LBB2_10-.Ltmp1, $4  }
0xf: {  	s12 =	simm.s32 @!p1 $0x3  }
0x10: {  	_ =	swait.ge @!p1 [sflag:s12], $0x8000  }
0x11: {  	p0 =	por !p0, !p0;
	[sflag:s12] =	ssyncset.done @!p1 $0x0  }
0x12: {  	s11 =	smov.u32 s10;
	s10 =	smov.u32 s13;
	[sflag:s12] =	ssyncadd.s32 @!p1 $0xFFFF8000  }
.LBB2_1:
0x13: {  	p1 =	sgt.u32 s9, $0x1  }
0x14: {  	s12 =	sshll.u32 @!p1 s9, $0x7;
	s13 =	sshrl.u32 @!p1 s10, $0x3  }
0x15: {  	s14 =	sand.u32 @!p1 $0x7, s10;
	s12 =	sxor.u32 @!p1 $0x80, s12;
	s13 =	sadd.s32 @!p1 s7, s13  }
0x16: {  	[tilespmem:s12], [sflag:$0x2] =	stream.linear.gather @!p1 [hbm4b:s13+s14], $0x80, $0x38;
	[tilespmem:$0x10100] =	vst v63  }
0x17: {  	p1 =	seq.s32 s9, $0x0  }
0x18: {  	p2 =	seq.s32 @!p1 s9, $0x3  }
0x19: {  	p1 =	por p1, p2  }
.Ltmp2:
0x1a: {  	_ = 	snop;
	(pc) =	sbr.rel @p1 .LBB2_9-.Ltmp2, $1  }
0x1b: {  	_ =	sdelay $0x3  }
0x1c: {  	s12 =	simm.s32 $0x1;
	_ =	swait.ge [sflag:s5], $0x80;
	s13 =	sand.u32 $0x1, s9  }
0x1d: {  	s15 =	simm.s32 $0x0;
	s12 =	simm.s32 @!p0 $0x0;
	[sflag:s5] =	ssyncset.done $0x0  }
0x1e: {  	s14 =	sshll.u32 s13, $0xF;
	s13 =	sshll.u32 s13, $0x7;
	s12 =	sshll.u32 s12, $0xF  }
0x1f: {  	[sflag:s5] =	ssyncadd.s32 $0xFFFFFF80;
	s14 =	sor.u32 $0x100, s14;
	s12 =	sor.u32 $0x100, s12  }
.LBB2_3:
0x20: {  	s16 =	sshll.u32 s15, $0x4  }
0x21: {  	s16 =	sand.u32 $0x3FFFFFF0, s16  }
0x22: {  	s16 =	sadd.s32 s16, s13  }
0x23: {  	v0 =	vld.msk [tilespmem:s16+$0x0 ss:$0x1], $0xffff;
	_ =	sdelay $0x4  }
0x24: {  	vm2 =	vgt.s32 v0, $0x0  }
0x25: {  	v0 =	vnsel vm2, $0x0, v0  }
0x26: {  	v0 =	vmin.u32 v0, $0x1FFF  }
0x27: {  	s31 =	sshll.u32 s15, $0xC;
	v1 =	vshll.u32 v0, $0x5;
	v0 =	vshll.u32 v0, $0x4  }
0x28: {  	s16 =	sand.u32 $0x3FFFF000, s31;
	v1 =	vand.u32 $0x3FF00, v1;
	v0 =	vand.u32 $0x70, v0  }
0x29: {  	p1 =	por $0x1, $0x1;
	s17 =	simm.s32 $0x0;
	s16 =	sadd.s32 s16, s14;
	v0 =	vor.u32 v0, v1  }
.LBB2_4:
0x2a: {  	_ =	sdelay $0x1  }
0x2b: {  	s17 =	sshra.s32 s17, $0x2;
	p2 =	por p1, p1  }
.Ltmp3:
0x2c: {  	s17 =	sadd.s32 s17, s16;
	(pc) =	sbr.rel @p2 .LBB2_4-.Ltmp3, $4  }
0x2d: {  	[tilespmem:s17], [sflag:$0x1] =	stream.indirect_vreg.gather [hbm:s2], $0x80, v0, vm0, $0x38;
	[tilespmem:$0x10100] =	vst v63  }
0x2e: {  	s17 =	sadd.s32 $0x800, s17  }
0x2f: {  	[tilespmem:s17], [sflag:$0x1] =	stream.indirect_vreg.gather [hbm:s2], $0x80, v0, vm1, $0x38;
	[tilespmem:$0x10100] =	vst v63  }
0x30: {  	p1 =	por $0x0, $0x0;
	v0 =	vadd.s32 $0x80, v0;
	s17 =	simm.s32 $0x1000  }
0x31: {  	s15 =	sadd.s32 $0x1, s15  }
0x32: {  	p1 =	sne.s32 s15, $0x8  }
.Ltmp4:
0x33: {  	_ = 	snop;
	(pc) =	sbr.rel @p1 .LBB2_3-.Ltmp4, $1  }
0x34: {  	_ =	sdelay $0x3  }
0x35: {  	s13 =	sshll.u32 s11, $0x5  }
0x36: {  	s31 =	sshll.u32 s11, $0x4;
	s13 =	sand.u32 $0xFFFFFF00, s13  }
0x37: {  	_ =	swait.ge [sflag:s4], $0x8000;
	s11 =	sand.u32 $0x70, s31;
	s13 =	sadd.s32 s13, s3  }
0x38: {  	s14 =	sadd.s32 $0x800, s12;
	[sflag:s4] =	ssyncset.done $0x0;
	s11 =	sadd.s32 s11, s13  }
0x39: {  	[sflag:s4] =	ssyncadd.s32 $0xFFFF8000;
	s13 =	simm.s32 $0x100;
	s15 =	sadd.s32 $0x0, s11  }
.LBB2_7:
0x3a: {  	[hbm:s15] =	stream.linear.scatter [tilespmem:s12], [sflag:$0x3], $0x800, $0x38;
	[tilespmem:$0x10100] =	vst v63  }
0x3b: {  	s15 =	smov.u32 s13;
	s12 =	smov.u32 s14;
	p1 =	sne.s32 s13, $0xF00  }
.Ltmp5:
0x3c: {  	s13 =	sadd.s32 $0x100, s13;
	(pc) =	sbr.rel @p1 .LBB2_7-.Ltmp5, $2  }
0x3d: {  	_ =	sdelay $0x2  }
0x3e: {  	s14 =	sadd.s32 $0x800, s14;
	s15 =	sadd.s32 s15, s11  }
.Ltmp6:
0x3f: {  	_ = 	snop;
	(pc) =	sbr.rel .LBB2_8-.Ltmp6, $1  }
0x40: {  	_ =	sdelay $0x3  }
.LBB2_10:
0x41: {  	_ =	sfence.sel $0x180000  }
0x42: {  	s2 =	simm.s32 $0x2;
	[bflag:$0x0] =	sbarrier.arrive $0xFFFF  }
0x43: {  	s30 =	simm.s32 $0x3;
	[sflag:s2] =	ssyncpa.u1 $0x1  }
0x44: {  	s31 =	simm.s32 $0x1;
	[sflag:s30] =	ssyncpa.u1 $0x1  }
0x45: {  	[sflag:s31] =	ssyncpa.u1 $0x1  }
0x46: {  	p0 =	sne.s32 s1, $0x0;
	_ =	strace $0x90000047  }
0x47: {  	s0 =	sadd.s32 @!p0 $0x100000, s0;
	[bflag:$0x2] =	sbarrier.arrive $0xFFFF  }
0x48: {  	[sflag:s0] =	ssyncadd.tile.s32 @!p0 $0x1;
	_ =	shalt  }
.Lfunc_end2:
_tile_overlayer_lowered:
.L_overlay_start_2:
0x49: {  	(tag) =	ssettag $0x2  }
0x4a: {  	s0 =	rddreg [dreg:$0x0];
	s2 =	stileid.u32  }
0x4b: {  	s1 =	rddreg [dreg:$0x1];
	p0 =	sne.s32 s2, $0x0  }
0x4c: {  	s3 =	rddreg [dreg:$0x2];
	[bflag:$0x3] =	sbarrier.arrive $0xFFFF;
	s2 =	simm.s32 @!p0 $0x1C01  }
0x4d: {  	[timem:s3], [sflag:s2] =	dma.local @!p0 [hbm:s0], s1  }
0x4e: {  	s0 =	simm.s32 @!p0 $0x1  }
0x4f: {  	_ =	swait.ge @!p0 [sflag:s0], s1  }
0x50: {  	s1 =	ssub.s32 @!p0 $0x0, s1;
	[sflag:s0] =	ssyncset.done @!p0 $0x0  }
0x51: {  	[sflag:s0] =	ssyncadd.s32 @!p0 s1  }
0x52: {  	[bflag:$0x3] =	sbarrier.arrive $0xFFFF  }
0x53: {  	_ =	shalt  }

</sc_bundles>
